<compile_context>
chip_gen: v7x
topology: tpu7x:2x2x1
jax: 0.10.2.dev20260603
libtpu: 0.0.44.dev20260713+nightly
codegen_flags: <defaults>
</compile_context>

<pallas_src>
import functools

import jax
import jax.numpy as jnp
from jax import lax
from jax.experimental import pallas as pl
from jax.experimental.pallas import tpu as pltpu
from jax.experimental.pallas import tpu_sc as plsc

_B, _C, _H, _W = 16, 32, 32, 32
_N = _B * _H * _W
_K = 8192
_TB = 128

_NW = 32
_RPW = _N // _NW
_CH = 128
_NCH = _RPW // _CH
_DP = 128


def _argmin_body(xb_ref, w_ref, xsq_ref, wsq_ref, idx_ref):
    dot = lax.dot_general(
        xb_ref[...], w_ref[...], (((1,), (1,)), ((), ())),
        preferred_element_type=jnp.float32)
    d2 = (xsq_ref[...] - 2.0 * dot) + wsq_ref[...]
    d2c = jnp.maximum(d2, 0.0)
    m2 = jnp.min(d2c, axis=1, keepdims=True)
    s = jnp.sqrt(m2)
    mbits = lax.bitcast_convert_type(m2, jnp.int32)
    upper = m2
    alive = jnp.full(m2.shape, True)
    for t in range(1, 7):
        cand = lax.bitcast_convert_type(mbits + t, jnp.float32)
        alive = jnp.logical_and(alive, jnp.sqrt(cand) == s)
        upper = jnp.where(alive, cand, upper)
    ii = lax.broadcasted_iota(jnp.int32, (_TB, _K), 1)
    idx_ref[...] = jnp.min(
        jnp.where(d2c <= upper, ii, jnp.int32(2147483647)),
        axis=1, keepdims=True)


def _sc_gather_body(tbl_hbm, idx_hbm, out_hbm, idx_v, rows_v, sem):
    wid = lax.axis_index("s") * 2 + lax.axis_index("c")
    pltpu.sync_copy(idx_hbm.at[wid], idx_v)
    for j in range(_NCH):
        pltpu.async_copy(tbl_hbm.at[idx_v.at[j]], rows_v.at[j], sem).wait()
    pltpu.sync_copy(rows_v, out_hbm.at[wid])


def _sc_gather(weight, idx3):
    mesh = plsc.VectorSubcoreMesh(core_axis_name="c", subcore_axis_name="s")
    run = functools.partial(
        pl.kernel,
        mesh=mesh,
        out_type=jax.ShapeDtypeStruct((_NW, _NCH, _CH, _DP), jnp.float32),
        scratch_types=[
            pltpu.VMEM((_NCH, _CH), jnp.int32),
            pltpu.VMEM((_NCH, _CH, _DP), jnp.float32),
            pltpu.SemaphoreType.DMA,
        ],
    )(_sc_gather_body)
    return run(weight, idx3)


def kernel(x, weight):
    b, c, h, w = x.shape
    flat = jnp.transpose(x, (0, 2, 3, 1)).reshape(-1, c)
    x_sq = jnp.sum(flat * flat, axis=1, keepdims=True)
    w_sq = jnp.sum(weight * weight, axis=1)[None, :]
    flat_bf = flat.astype(jnp.bfloat16)

    idx2 = pl.pallas_call(
        _argmin_body,
        grid=(_N // _TB,),
        in_specs=[
            pl.BlockSpec((_TB, c), lambda i: (i, 0)),
            pl.BlockSpec((_K, c), lambda i: (0, 0)),
            pl.BlockSpec((_TB, 1), lambda i: (i, 0)),
            pl.BlockSpec((1, _K), lambda i: (0, 0)),
        ],
        out_specs=pl.BlockSpec((_TB, 1), lambda i: (i, 0)),
        out_shape=jax.ShapeDtypeStruct((_N, 1), jnp.int32),
    )(flat_bf, weight, x_sq, w_sq)

    idx_flat = idx2.reshape(_N)
    w_pad = jnp.pad(weight, ((0, 0), (0, _DP - c)))
    q4 = _sc_gather(w_pad, idx_flat.reshape(_NW, _NCH, _CH))
    q_flat = q4.reshape(_N, _DP)[:, :c]

    quantized = jnp.transpose(q_flat.reshape(b, h, w, c), (0, 3, 1, 2))
    st = lax.stop_gradient(quantized - x) + x
    idxs = idx_flat.reshape(b, h, w)
    return (quantized, st, idxs)

# --- scband reference (transcript-rebuilt; emitter-appended) ---
"""Pipeline reference for scband-quantize-57638461112474 (READ-ONLY COPY).

The authoritative reference and input builder live on the scoring server;
editing this copy changes nothing except your own understanding.
"""

import jax, jax.numpy as jnp
import numpy as np

B, C, H, W = 16, 32, 32, 32
K = 8192

def setup_inputs(seed: int = 0) -> dict:
    key = jax.random.key(seed)
    k1, k2 = jax.random.split(key)
    x = jax.random.normal(k1, (B, C, H, W), dtype=jnp.float32)
    weight = jax.random.uniform(k2, (K, C), dtype=jnp.float32, minval=-1.0 / K, maxval=1.0 / K)
    return {"x": x, "weight": weight}

def reference(x, weight):
    b, c, h, w = x.shape
    flat_inputs = jnp.transpose(x, (0, 2, 3, 1)).reshape(-1, c)
    # torch.cdist(flat_inputs, weight, p=2)
    x_sq = jnp.sum(flat_inputs * flat_inputs, axis=1, keepdims=True)
    w_sq = jnp.sum(weight * weight, axis=1)[None, :]
    d2 = x_sq - 2.0 * (flat_inputs @ weight.T) + w_sq
    dists = jnp.sqrt(jnp.maximum(d2, 0.0))
    idxs = jnp.argmax(-dists, axis=1).reshape(b, h, w)
    # embedding lookup -> gather rows of codebook
    quantized = jnp.transpose(jnp.take(weight, idxs, axis=0), (0, 3, 1, 2))
    st = jax.lax.stop_gradient(quantized - x) + x
    return (quantized, st, idxs)

if __name__ == "__main__":
    import jax
    _d = setup_inputs()
    print(jax.jit(kernel)(*tuple(_d.values())))

</pallas_src>

<mosaic_0001>
#map = affine_map<(d0, d1) -> (0, 0)>
#map1 = affine_map<(d0, d1) -> (0, 0, 0)>
#map2 = affine_map<(d0, d1) -> (0, 0, 0, 0)>
module attributes {stable_mosaic.version = 14 : i64} {
  func.func @_sc_gather_body(%arg0: i32, %arg1: i32, %arg2: memref<8192x128xf32, #tpu.memory_space<hbm>>, %arg3: memref<32x4x128xi32, #tpu.memory_space<hbm>>, %arg4: memref<32x4x128x128xf32, #tpu.memory_space<hbm>>, %arg5: memref<4x128xi32, #tpu.memory_space<vmem>>, %arg6: memref<4x128x128xf32, #tpu.memory_space<vmem>>, %arg7: memref<!tpu.dma_semaphore, #tpu.memory_space<semaphore_mem>>) attributes {dimension_semantics = [#tpu.dimension_semantics<core_parallel>, #tpu.dimension_semantics<subcore_parallel>], iteration_bounds = array<i64: 2, 16>, scalar_prefetch = 0 : i64, scratch_operands = 3 : i64, tpu.core_type = #tpu.core_type<sc_vector_subcore>, window_params = [{transform_indices = #map}, {transform_indices = #map1}, {transform_indices = #map2}]} {
    %mul3A = arith.constant 2 : i32
    %mul3A_0 = arith.muli %arg1, %mul3A : i32
    %add3A = arith.addi %mul3A_0, %arg0 : i32
    "tpu.region"() ({
      %run_scoped3A = tpu.sem_alloc : memref<!tpu.dma_semaphore, #tpu.memory_space<semaphore_mem>>
      %dma_start3A_95 = arith.constant 0 : i32
      %dma_start3A_96 = arith.constant 0 : i32
      %dma_start3A_97 = tpu.memref_slice %arg3[%add3A, %dma_start3A_95, %dma_start3A_96] : memref<32x4x128xi32, #tpu.memory_space<hbm>> -> memref<1x4x128xi32, #tpu.memory_space<hbm>>
      %dma_start3A_98 = tpu.memref_squeeze %dma_start3A_97 : memref<1x4x128xi32, #tpu.memory_space<hbm>> -> memref<4x128xi32, #tpu.memory_space<hbm>>
      %dma_start3A_99 = arith.constant 0 : i32
      %dma_start3A_100 = arith.constant 0 : i32
      %dma_start3A_101 = tpu.memref_slice %arg3[%add3A, %dma_start3A_99, %dma_start3A_100] : memref<32x4x128xi32, #tpu.memory_space<hbm>> -> memref<1x4x128xi32, #tpu.memory_space<hbm>>
      %dma_start3A_102 = tpu.memref_squeeze %dma_start3A_101 : memref<1x4x128xi32, #tpu.memory_space<hbm>> -> memref<4x128xi32, #tpu.memory_space<hbm>>
      tpu.enqueue_dma source(%dma_start3A_102 : memref<4x128xi32, #tpu.memory_space<hbm>>) target(%arg5 : memref<4x128xi32, #tpu.memory_space<vmem>>) target_semaphore(%run_scoped3A : memref<!tpu.dma_semaphore, #tpu.memory_space<semaphore_mem>>)
      %dma_wait3A_103 = arith.constant 0 : i32
      %dma_wait3A_104 = arith.constant 0 : i32
      %dma_wait3A_105 = tpu.memref_slice %arg3[%add3A, %dma_wait3A_103, %dma_wait3A_104] : memref<32x4x128xi32, #tpu.memory_space<hbm>> -> memref<1x4x128xi32, #tpu.memory_space<hbm>>
      %dma_wait3A_106 = tpu.memref_squeeze %dma_wait3A_105 : memref<1x4x128xi32, #tpu.memory_space<hbm>> -> memref<4x128xi32, #tpu.memory_space<hbm>>
      %dma_wait3A_107 = arith.constant 0 : i32
      %dma_wait3A_108 = arith.constant 0 : i32
      %dma_wait3A_109 = tpu.memref_slice %arg3[%add3A, %dma_wait3A_107, %dma_wait3A_108] : memref<32x4x128xi32, #tpu.memory_space<hbm>> -> memref<1x4x128xi32, #tpu.memory_space<hbm>>
      %dma_wait3A_110 = tpu.memref_squeeze %dma_wait3A_109 : memref<1x4x128xi32, #tpu.memory_space<hbm>> -> memref<4x128xi32, #tpu.memory_space<hbm>>
      tpu.wait_dma2 semaphore(%run_scoped3A : memref<!tpu.dma_semaphore, #tpu.memory_space<semaphore_mem>>) src(%dma_wait3A_110 : memref<4x128xi32, #tpu.memory_space<hbm>>) dst(%arg5 : memref<4x128xi32, #tpu.memory_space<vmem>>)
      tpu.yield
    }) : () -> ()
    %dma_start3A = arith.constant 0 : i32
    %dma_start3A_1 = arith.constant 0 : i32
    %dma_start3A_2 = arith.constant 0 : i32
    %dma_start3A_3 = arith.constant 0 : i32
    %dma_start3A_4 = tpu.memref_slice %arg6[%dma_start3A_1, %dma_start3A_2, %dma_start3A_3] : memref<4x128x128xf32, #tpu.memory_space<vmem>> -> memref<1x128x128xf32, #tpu.memory_space<vmem>>
    %dma_start3A_5 = tpu.memref_squeeze %dma_start3A_4 : memref<1x128x128xf32, #tpu.memory_space<vmem>> -> memref<128x128xf32, #tpu.memory_space<vmem>>
    %dma_start3A_6 = arith.constant 0 : i32
    %dma_start3A_7 = tpu.memref_slice %arg5[%dma_start3A, %dma_start3A_6] : memref<4x128xi32, #tpu.memory_space<vmem>> -> memref<1x128xi32, #tpu.memory_space<vmem>>
    %dma_start3A_8 = tpu.memref_squeeze %dma_start3A_7 : memref<1x128xi32, #tpu.memory_space<vmem>> -> memref<128xi32, #tpu.memory_space<vmem>>
    %dma_start3A_9 = arith.constant 0 : i32
    %dma_start3A_10 = arith.constant 0 : i32
    %dma_start3A_11 = tpu.memref_slice %arg2[%dma_start3A_9, %dma_start3A_10] : memref<8192x128xf32, #tpu.memory_space<hbm>> -> memref<8192x128xf32, #tpu.memory_space<hbm>>
    tpu.enqueue_indirect_dma source(%dma_start3A_11 : memref<8192x128xf32, #tpu.memory_space<hbm>>) target(%dma_start3A_5 : memref<128x128xf32, #tpu.memory_space<vmem>>) offsets(%dma_start3A_8 : memref<128xi32, #tpu.memory_space<vmem>>) semaphore(%arg7 : memref<!tpu.dma_semaphore, #tpu.memory_space<semaphore_mem>>)
    %dma_wait3A = arith.constant 0 : i32
    %dma_wait3A_12 = arith.constant 0 : i32
    %dma_wait3A_13 = arith.constant 0 : i32
    %dma_wait3A_14 = arith.constant 0 : i32
    %dma_wait3A_15 = tpu.memref_slice %arg6[%dma_wait3A_12, %dma_wait3A_13, %dma_wait3A_14] : memref<4x128x128xf32, #tpu.memory_space<vmem>> -> memref<1x128x128xf32, #tpu.memory_space<vmem>>
    %dma_wait3A_16 = tpu.memref_squeeze %dma_wait3A_15 : memref<1x128x128xf32, #tpu.memory_space<vmem>> -> memref<128x128xf32, #tpu.memory_space<vmem>>
    %dma_wait3A_17 = arith.constant 0 : i32
    %dma_wait3A_18 = tpu.memref_slice %arg5[%dma_wait3A, %dma_wait3A_17] : memref<4x128xi32, #tpu.memory_space<vmem>> -> memref<1x128xi32, #tpu.memory_space<vmem>>
    %dma_wait3A_19 = tpu.memref_squeeze %dma_wait3A_18 : memref<1x128xi32, #tpu.memory_space<vmem>> -> memref<128xi32, #tpu.memory_space<vmem>>
    %dma_wait3A_20 = arith.constant 0 : i32
    %dma_wait3A_21 = arith.constant 0 : i32
    %dma_wait3A_22 = tpu.memref_slice %arg2[%dma_wait3A_20, %dma_wait3A_21] : memref<8192x128xf32, #tpu.memory_space<hbm>> -> memref<8192x128xf32, #tpu.memory_space<hbm>>
    tpu.wait_indirect_dma semaphore(%arg7 : memref<!tpu.dma_semaphore, #tpu.memory_space<semaphore_mem>>) src(%dma_wait3A_22 : memref<8192x128xf32, #tpu.memory_space<hbm>>) dst(%dma_wait3A_16 : memref<128x128xf32, #tpu.memory_space<vmem>>)
    %dma_start3A_23 = arith.constant 1 : i32
    %dma_start3A_24 = arith.constant 1 : i32
    %dma_start3A_25 = arith.constant 0 : i32
    %dma_start3A_26 = arith.constant 0 : i32
    %dma_start3A_27 = tpu.memref_slice %arg6[%dma_start3A_24, %dma_start3A_25, %dma_start3A_26] : memref<4x128x128xf32, #tpu.memory_space<vmem>> -> memref<1x128x128xf32, #tpu.memory_space<vmem>>
    %dma_start3A_28 = tpu.memref_squeeze %dma_start3A_27 : memref<1x128x128xf32, #tpu.memory_space<vmem>> -> memref<128x128xf32, #tpu.memory_space<vmem>>
    %dma_start3A_29 = arith.constant 0 : i32
    %dma_start3A_30 = tpu.memref_slice %arg5[%dma_start3A_23, %dma_start3A_29] : memref<4x128xi32, #tpu.memory_space<vmem>> -> memref<1x128xi32, #tpu.memory_space<vmem>>
    %dma_start3A_31 = tpu.memref_squeeze %dma_start3A_30 : memref<1x128xi32, #tpu.memory_space<vmem>> -> memref<128xi32, #tpu.memory_space<vmem>>
    %dma_start3A_32 = arith.constant 0 : i32
    %dma_start3A_33 = arith.constant 0 : i32
    %dma_start3A_34 = tpu.memref_slice %arg2[%dma_start3A_32, %dma_start3A_33] : memref<8192x128xf32, #tpu.memory_space<hbm>> -> memref<8192x128xf32, #tpu.memory_space<hbm>>
    tpu.enqueue_indirect_dma source(%dma_start3A_34 : memref<8192x128xf32, #tpu.memory_space<hbm>>) target(%dma_start3A_28 : memref<128x128xf32, #tpu.memory_space<vmem>>) offsets(%dma_start3A_31 : memref<128xi32, #tpu.memory_space<vmem>>) semaphore(%arg7 : memref<!tpu.dma_semaphore, #tpu.memory_space<semaphore_mem>>)
    %dma_wait3A_35 = arith.constant 1 : i32
    %dma_wait3A_36 = arith.constant 1 : i32
    %dma_wait3A_37 = arith.constant 0 : i32
    %dma_wait3A_38 = arith.constant 0 : i32
    %dma_wait3A_39 = tpu.memref_slice %arg6[%dma_wait3A_36, %dma_wait3A_37, %dma_wait3A_38] : memref<4x128x128xf32, #tpu.memory_space<vmem>> -> memref<1x128x128xf32, #tpu.memory_space<vmem>>
    %dma_wait3A_40 = tpu.memref_squeeze %dma_wait3A_39 : memref<1x128x128xf32, #tpu.memory_space<vmem>> -> memref<128x128xf32, #tpu.memory_space<vmem>>
    %dma_wait3A_41 = arith.constant 0 : i32
    %dma_wait3A_42 = tpu.memref_slice %arg5[%dma_wait3A_35, %dma_wait3A_41] : memref<4x128xi32, #tpu.memory_space<vmem>> -> memref<1x128xi32, #tpu.memory_space<vmem>>
    %dma_wait3A_43 = tpu.memref_squeeze %dma_wait3A_42 : memref<1x128xi32, #tpu.memory_space<vmem>> -> memref<128xi32, #tpu.memory_space<vmem>>
    %dma_wait3A_44 = arith.constant 0 : i32
    %dma_wait3A_45 = arith.constant 0 : i32
    %dma_wait3A_46 = tpu.memref_slice %arg2[%dma_wait3A_44, %dma_wait3A_45] : memref<8192x128xf32, #tpu.memory_space<hbm>> -> memref<8192x128xf32, #tpu.memory_space<hbm>>
    tpu.wait_indirect_dma semaphore(%arg7 : memref<!tpu.dma_semaphore, #tpu.memory_space<semaphore_mem>>) src(%dma_wait3A_46 : memref<8192x128xf32, #tpu.memory_space<hbm>>) dst(%dma_wait3A_40 : memref<128x128xf32, #tpu.memory_space<vmem>>)
    %dma_start3A_47 = arith.constant 2 : i32
    %dma_start3A_48 = arith.constant 2 : i32
    %dma_start3A_49 = arith.constant 0 : i32
    %dma_start3A_50 = arith.constant 0 : i32
    %dma_start3A_51 = tpu.memref_slice %arg6[%dma_start3A_48, %dma_start3A_49, %dma_start3A_50] : memref<4x128x128xf32, #tpu.memory_space<vmem>> -> memref<1x128x128xf32, #tpu.memory_space<vmem>>
    %dma_start3A_52 = tpu.memref_squeeze %dma_start3A_51 : memref<1x128x128xf32, #tpu.memory_space<vmem>> -> memref<128x128xf32, #tpu.memory_space<vmem>>
    %dma_start3A_53 = arith.constant 0 : i32
    %dma_start3A_54 = tpu.memref_slice %arg5[%dma_start3A_47, %dma_start3A_53] : memref<4x128xi32, #tpu.memory_space<vmem>> -> memref<1x128xi32, #tpu.memory_space<vmem>>
    %dma_start3A_55 = tpu.memref_squeeze %dma_start3A_54 : memref<1x128xi32, #tpu.memory_space<vmem>> -> memref<128xi32, #tpu.memory_space<vmem>>
    %dma_start3A_56 = arith.constant 0 : i32
    %dma_start3A_57 = arith.constant 0 : i32
    %dma_start3A_58 = tpu.memref_slice %arg2[%dma_start3A_56, %dma_start3A_57] : memref<8192x128xf32, #tpu.memory_space<hbm>> -> memref<8192x128xf32, #tpu.memory_space<hbm>>
    tpu.enqueue_indirect_dma source(%dma_start3A_58 : memref<8192x128xf32, #tpu.memory_space<hbm>>) target(%dma_start3A_52 : memref<128x128xf32, #tpu.memory_space<vmem>>) offsets(%dma_start3A_55 : memref<128xi32, #tpu.memory_space<vmem>>) semaphore(%arg7 : memref<!tpu.dma_semaphore, #tpu.memory_space<semaphore_mem>>)
    %dma_wait3A_59 = arith.constant 2 : i32
    %dma_wait3A_60 = arith.constant 2 : i32
    %dma_wait3A_61 = arith.constant 0 : i32
    %dma_wait3A_62 = arith.constant 0 : i32
    %dma_wait3A_63 = tpu.memref_slice %arg6[%dma_wait3A_60, %dma_wait3A_61, %dma_wait3A_62] : memref<4x128x128xf32, #tpu.memory_space<vmem>> -> memref<1x128x128xf32, #tpu.memory_space<vmem>>
    %dma_wait3A_64 = tpu.memref_squeeze %dma_wait3A_63 : memref<1x128x128xf32, #tpu.memory_space<vmem>> -> memref<128x128xf32, #tpu.memory_space<vmem>>
    %dma_wait3A_65 = arith.constant 0 : i32
    %dma_wait3A_66 = tpu.memref_slice %arg5[%dma_wait3A_59, %dma_wait3A_65] : memref<4x128xi32, #tpu.memory_space<vmem>> -> memref<1x128xi32, #tpu.memory_space<vmem>>
    %dma_wait3A_67 = tpu.memref_squeeze %dma_wait3A_66 : memref<1x128xi32, #tpu.memory_space<vmem>> -> memref<128xi32, #tpu.memory_space<vmem>>
    %dma_wait3A_68 = arith.constant 0 : i32
    %dma_wait3A_69 = arith.constant 0 : i32
    %dma_wait3A_70 = tpu.memref_slice %arg2[%dma_wait3A_68, %dma_wait3A_69] : memref<8192x128xf32, #tpu.memory_space<hbm>> -> memref<8192x128xf32, #tpu.memory_space<hbm>>
    tpu.wait_indirect_dma semaphore(%arg7 : memref<!tpu.dma_semaphore, #tpu.memory_space<semaphore_mem>>) src(%dma_wait3A_70 : memref<8192x128xf32, #tpu.memory_space<hbm>>) dst(%dma_wait3A_64 : memref<128x128xf32, #tpu.memory_space<vmem>>)
    %dma_start3A_71 = arith.constant 3 : i32
    %dma_start3A_72 = arith.constant 3 : i32
    %dma_start3A_73 = arith.constant 0 : i32
    %dma_start3A_74 = arith.constant 0 : i32
    %dma_start3A_75 = tpu.memref_slice %arg6[%dma_start3A_72, %dma_start3A_73, %dma_start3A_74] : memref<4x128x128xf32, #tpu.memory_space<vmem>> -> memref<1x128x128xf32, #tpu.memory_space<vmem>>
    %dma_start3A_76 = tpu.memref_squeeze %dma_start3A_75 : memref<1x128x128xf32, #tpu.memory_space<vmem>> -> memref<128x128xf32, #tpu.memory_space<vmem>>
    %dma_start3A_77 = arith.constant 0 : i32
    %dma_start3A_78 = tpu.memref_slice %arg5[%dma_start3A_71, %dma_start3A_77] : memref<4x128xi32, #tpu.memory_space<vmem>> -> memref<1x128xi32, #tpu.memory_space<vmem>>
    %dma_start3A_79 = tpu.memref_squeeze %dma_start3A_78 : memref<1x128xi32, #tpu.memory_space<vmem>> -> memref<128xi32, #tpu.memory_space<vmem>>
    %dma_start3A_80 = arith.constant 0 : i32
    %dma_start3A_81 = arith.constant 0 : i32
    %dma_start3A_82 = tpu.memref_slice %arg2[%dma_start3A_80, %dma_start3A_81] : memref<8192x128xf32, #tpu.memory_space<hbm>> -> memref<8192x128xf32, #tpu.memory_space<hbm>>
    tpu.enqueue_indirect_dma source(%dma_start3A_82 : memref<8192x128xf32, #tpu.memory_space<hbm>>) target(%dma_start3A_76 : memref<128x128xf32, #tpu.memory_space<vmem>>) offsets(%dma_start3A_79 : memref<128xi32, #tpu.memory_space<vmem>>) semaphore(%arg7 : memref<!tpu.dma_semaphore, #tpu.memory_space<semaphore_mem>>)
    %dma_wait3A_83 = arith.constant 3 : i32
    %dma_wait3A_84 = arith.constant 3 : i32
    %dma_wait3A_85 = arith.constant 0 : i32
    %dma_wait3A_86 = arith.constant 0 : i32
    %dma_wait3A_87 = tpu.memref_slice %arg6[%dma_wait3A_84, %dma_wait3A_85, %dma_wait3A_86] : memref<4x128x128xf32, #tpu.memory_space<vmem>> -> memref<1x128x128xf32, #tpu.memory_space<vmem>>
    %dma_wait3A_88 = tpu.memref_squeeze %dma_wait3A_87 : memref<1x128x128xf32, #tpu.memory_space<vmem>> -> memref<128x128xf32, #tpu.memory_space<vmem>>
    %dma_wait3A_89 = arith.constant 0 : i32
    %dma_wait3A_90 = tpu.memref_slice %arg5[%dma_wait3A_83, %dma_wait3A_89] : memref<4x128xi32, #tpu.memory_space<vmem>> -> memref<1x128xi32, #tpu.memory_space<vmem>>
    %dma_wait3A_91 = tpu.memref_squeeze %dma_wait3A_90 : memref<1x128xi32, #tpu.memory_space<vmem>> -> memref<128xi32, #tpu.memory_space<vmem>>
    %dma_wait3A_92 = arith.constant 0 : i32
    %dma_wait3A_93 = arith.constant 0 : i32
    %dma_wait3A_94 = tpu.memref_slice %arg2[%dma_wait3A_92, %dma_wait3A_93] : memref<8192x128xf32, #tpu.memory_space<hbm>> -> memref<8192x128xf32, #tpu.memory_space<hbm>>
    tpu.wait_indirect_dma semaphore(%arg7 : memref<!tpu.dma_semaphore, #tpu.memory_space<semaphore_mem>>) src(%dma_wait3A_94 : memref<8192x128xf32, #tpu.memory_space<hbm>>) dst(%dma_wait3A_88 : memref<128x128xf32, #tpu.memory_space<vmem>>)
    "tpu.region"() ({
      %run_scoped3A = tpu.sem_alloc : memref<!tpu.dma_semaphore, #tpu.memory_space<semaphore_mem>>
      %dma_start3A_95 = arith.constant 0 : i32
      %dma_start3A_96 = arith.constant 0 : i32
      %dma_start3A_97 = arith.constant 0 : i32
      %dma_start3A_98 = tpu.memref_slice %arg4[%add3A, %dma_start3A_95, %dma_start3A_96, %dma_start3A_97] : memref<32x4x128x128xf32, #tpu.memory_space<hbm>> -> memref<1x4x128x128xf32, #tpu.memory_space<hbm>>
      %dma_start3A_99 = tpu.memref_squeeze %dma_start3A_98 : memref<1x4x128x128xf32, #tpu.memory_space<hbm>> -> memref<4x128x128xf32, #tpu.memory_space<hbm>>
      %dma_start3A_100 = arith.constant 0 : i32
      %dma_start3A_101 = arith.constant 0 : i32
      %dma_start3A_102 = arith.constant 0 : i32
      %dma_start3A_103 = tpu.memref_slice %arg4[%add3A, %dma_start3A_100, %dma_start3A_101, %dma_start3A_102] : memref<32x4x128x128xf32, #tpu.memory_space<hbm>> -> memref<1x4x128x128xf32, #tpu.memory_space<hbm>>
      %dma_start3A_104 = tpu.memref_squeeze %dma_start3A_103 : memref<1x4x128x128xf32, #tpu.memory_space<hbm>> -> memref<4x128x128xf32, #tpu.memory_space<hbm>>
      tpu.enqueue_dma source(%arg6 : memref<4x128x128xf32, #tpu.memory_space<vmem>>) target(%dma_start3A_104 : memref<4x128x128xf32, #tpu.memory_space<hbm>>) target_semaphore(%run_scoped3A : memref<!tpu.dma_semaphore, #tpu.memory_space<semaphore_mem>>)
      %dma_wait3A_105 = arith.constant 0 : i32
      %dma_wait3A_106 = arith.constant 0 : i32
      %dma_wait3A_107 = arith.constant 0 : i32
      %dma_wait3A_108 = tpu.memref_slice %arg4[%add3A, %dma_wait3A_105, %dma_wait3A_106, %dma_wait3A_107] : memref<32x4x128x128xf32, #tpu.memory_space<hbm>> -> memref<1x4x128x128xf32, #tpu.memory_space<hbm>>
      %dma_wait3A_109 = tpu.memref_squeeze %dma_wait3A_108 : memref<1x4x128x128xf32, #tpu.memory_space<hbm>> -> memref<4x128x128xf32, #tpu.memory_space<hbm>>
      %dma_wait3A_110 = arith.constant 0 : i32
      %dma_wait3A_111 = arith.constant 0 : i32
      %dma_wait3A_112 = arith.constant 0 : i32
      %dma_wait3A_113 = tpu.memref_slice %arg4[%add3A, %dma_wait3A_110, %dma_wait3A_111, %dma_wait3A_112] : memref<32x4x128x128xf32, #tpu.memory_space<hbm>> -> memref<1x4x128x128xf32, #tpu.memory_space<hbm>>
      %dma_wait3A_114 = tpu.memref_squeeze %dma_wait3A_113 : memref<1x4x128x128xf32, #tpu.memory_space<hbm>> -> memref<4x128x128xf32, #tpu.memory_space<hbm>>
      tpu.wait_dma2 semaphore(%run_scoped3A : memref<!tpu.dma_semaphore, #tpu.memory_space<semaphore_mem>>) src(%arg6 : memref<4x128x128xf32, #tpu.memory_space<vmem>>) dst(%dma_wait3A_114 : memref<4x128x128xf32, #tpu.memory_space<hbm>>)
      tpu.yield
    }) : () -> ()
    return
  }
}

module attributes {stable_mosaic.version = 14 : i64} {
  func.func @_argmin_body(%arg0: i32, %arg1: memref<128x32xbf16, #tpu.memory_space<vmem>>, %arg2: memref<8192x32xf32, #tpu.memory_space<vmem>>, %arg3: memref<128x1xf32, #tpu.memory_space<vmem>>, %arg4: memref<1x8192xf32, #tpu.memory_space<vmem>>, %arg5: memref<128x1xi32, #tpu.memory_space<vmem>>) attributes {dimension_semantics = [#tpu.dimension_semantics<arbitrary>], iteration_bounds = array<i64: 128>, scalar_prefetch = 0 : i64, scratch_operands = 0 : i64, tpu.core_type = #tpu.core_type<tc>, window_params = [{transform_indices = @transform_0, window_bounds = array<i64: 128, 32>}, {pipeline_mode = #tpu.pipeline_mode<synchronous>, transform_indices = @transform_1, window_bounds = array<i64: 8192, 32>}, {transform_indices = @transform_2, window_bounds = array<i64: 128, 1>}, {pipeline_mode = #tpu.pipeline_mode<synchronous>, transform_indices = @transform_3, window_bounds = array<i64: 1, 8192>}, {transform_indices = @transform_4, window_bounds = array<i64: 128, 1>}]} {
    %get3A = arith.constant 0 : index
    %get3A_0 = arith.constant 0 : index
    %get3A_1 = vector.load %arg1[%get3A, %get3A_0] : memref<128x32xbf16, #tpu.memory_space<vmem>>, vector<128x32xbf16>
    %get3A_2 = arith.constant 0 : index
    %get3A_3 = arith.constant 0 : index
    %get3A_4 = vector.load %arg2[%get3A_2, %get3A_3] : memref<8192x32xf32, #tpu.memory_space<vmem>>, vector<8192x32xf32>
    %dot_general3A = arith.constant dense<0.000000e+00> : vector<128x8192xf32>
    %dot_general3A_5 = tpu.matmul %get3A_1, %get3A_4, %dot_general3A {dimension_numbers = #tpu.dot_dimension_numbers<[1], [1], [0], [0], [0, 0, 1, 0], [], []>, transpose_lhs_hint = false} : vector<128x32xbf16>, vector<8192x32xf32>, vector<128x8192xf32> -> vector<128x8192xf32>
    %get3A_6 = arith.constant 0 : index
    %get3A_7 = arith.constant 0 : index
    %get3A_8 = vector.load %arg3[%get3A_6, %get3A_7] : memref<128x1xf32, #tpu.memory_space<vmem>>, vector<128x1xf32>
    %mul3A = arith.constant 2.000000e+00 : f32
    %mul3A_9 = vector.broadcast %mul3A : f32 to vector<128x8192xf32>
    %mul3A_10 = arith.mulf %mul3A_9, %dot_general3A_5 : vector<128x8192xf32>
    %sub3A = vector.broadcast %get3A_8 : vector<128x1xf32> to vector<128x8192xf32>
    %sub3A_11 = arith.subf %sub3A, %mul3A_10 : vector<128x8192xf32>
    %get3A_12 = arith.constant 0 : index
    %get3A_13 = arith.constant 0 : index
    %get3A_14 = vector.load %arg4[%get3A_12, %get3A_13] : memref<1x8192xf32, #tpu.memory_space<vmem>>, vector<1x8192xf32>
    %add3A = vector.broadcast %get3A_14 : vector<1x8192xf32> to vector<128x8192xf32>
    %add3A_15 = arith.addf %sub3A_11, %add3A : vector<128x8192xf32>
    %max3A = arith.constant 0.000000e+00 : f32
    %max3A_16 = vector.broadcast %max3A : f32 to vector<128x8192xf32>
    %max3A_17 = arith.maximumf %add3A_15, %max3A_16 : vector<128x8192xf32>
    %reduce_min3A = arith.constant dense<0x7F800000> : vector<128xf32>
    %reduce_min3A_18 = vector.multi_reduction <minimumf>, %max3A_17, %reduce_min3A [1] : vector<128x8192xf32> to vector<128xf32>
    %broadcast_in_dim3A = vector.shape_cast %reduce_min3A_18 : vector<128xf32> to vector<128x1xf32>
    %sqrt3A = math.sqrt %broadcast_in_dim3A : vector<128x1xf32>
    %bitcast_convert_type3A = tpu.bitcast %broadcast_in_dim3A : vector<128x1xf32> -> vector<128x1xi32>
    %broadcast_in_dim3A_19 = arith.constant true
    %broadcast_in_dim3A_20 = vector.broadcast %broadcast_in_dim3A_19 : i1 to vector<128x1xi1>
    %add3A_21 = arith.constant 1 : i32
    %add3A_22 = vector.broadcast %add3A_21 : i32 to vector<128x1xi32>
    %add3A_23 = arith.addi %bitcast_convert_type3A, %add3A_22 : vector<128x1xi32>
    %bitcast_convert_type3A_24 = tpu.bitcast %add3A_23 : vector<128x1xi32> -> vector<128x1xf32>
    %sqrt3A_25 = math.sqrt %bitcast_convert_type3A_24 : vector<128x1xf32>
    %eq3A = arith.cmpf oeq, %sqrt3A_25, %sqrt3A : vector<128x1xf32>
    %and3A = arith.andi %broadcast_in_dim3A_20, %eq3A : vector<128x1xi1>
    %select_n3A = arith.select %and3A, %bitcast_convert_type3A_24, %broadcast_in_dim3A : vector<128x1xi1>, vector<128x1xf32>
    %add3A_26 = arith.constant 2 : i32
    %add3A_27 = vector.broadcast %add3A_26 : i32 to vector<128x1xi32>
    %add3A_28 = arith.addi %bitcast_convert_type3A, %add3A_27 : vector<128x1xi32>
    %bitcast_convert_type3A_29 = tpu.bitcast %add3A_28 : vector<128x1xi32> -> vector<128x1xf32>
    %sqrt3A_30 = math.sqrt %bitcast_convert_type3A_29 : vector<128x1xf32>
    %eq3A_31 = arith.cmpf oeq, %sqrt3A_30, %sqrt3A : vector<128x1xf32>
    %and3A_32 = arith.andi %and3A, %eq3A_31 : vector<128x1xi1>
    %select_n3A_33 = arith.select %and3A_32, %bitcast_convert_type3A_29, %select_n3A : vector<128x1xi1>, vector<128x1xf32>
    %add3A_34 = arith.constant 3 : i32
    %add3A_35 = vector.broadcast %add3A_34 : i32 to vector<128x1xi32>
    %add3A_36 = arith.addi %bitcast_convert_type3A, %add3A_35 : vector<128x1xi32>
    %bitcast_convert_type3A_37 = tpu.bitcast %add3A_36 : vector<128x1xi32> -> vector<128x1xf32>
    %sqrt3A_38 = math.sqrt %bitcast_convert_type3A_37 : vector<128x1xf32>
    %eq3A_39 = arith.cmpf oeq, %sqrt3A_38, %sqrt3A : vector<128x1xf32>
    %and3A_40 = arith.andi %and3A_32, %eq3A_39 : vector<128x1xi1>
    %select_n3A_41 = arith.select %and3A_40, %bitcast_convert_type3A_37, %select_n3A_33 : vector<128x1xi1>, vector<128x1xf32>
    %add3A_42 = arith.constant 4 : i32
    %add3A_43 = vector.broadcast %add3A_42 : i32 to vector<128x1xi32>
    %add3A_44 = arith.addi %bitcast_convert_type3A, %add3A_43 : vector<128x1xi32>
    %bitcast_convert_type3A_45 = tpu.bitcast %add3A_44 : vector<128x1xi32> -> vector<128x1xf32>
    %sqrt3A_46 = math.sqrt %bitcast_convert_type3A_45 : vector<128x1xf32>
    %eq3A_47 = arith.cmpf oeq, %sqrt3A_46, %sqrt3A : vector<128x1xf32>
    %and3A_48 = arith.andi %and3A_40, %eq3A_47 : vector<128x1xi1>
    %select_n3A_49 = arith.select %and3A_48, %bitcast_convert_type3A_45, %select_n3A_41 : vector<128x1xi1>, vector<128x1xf32>
    %add3A_50 = arith.constant 5 : i32
    %add3A_51 = vector.broadcast %add3A_50 : i32 to vector<128x1xi32>
    %add3A_52 = arith.addi %bitcast_convert_type3A, %add3A_51 : vector<128x1xi32>
    %bitcast_convert_type3A_53 = tpu.bitcast %add3A_52 : vector<128x1xi32> -> vector<128x1xf32>
    %sqrt3A_54 = math.sqrt %bitcast_convert_type3A_53 : vector<128x1xf32>
    %eq3A_55 = arith.cmpf oeq, %sqrt3A_54, %sqrt3A : vector<128x1xf32>
    %and3A_56 = arith.andi %and3A_48, %eq3A_55 : vector<128x1xi1>
    %select_n3A_57 = arith.select %and3A_56, %bitcast_convert_type3A_53, %select_n3A_49 : vector<128x1xi1>, vector<128x1xf32>
    %add3A_58 = arith.constant 6 : i32
    %add3A_59 = vector.broadcast %add3A_58 : i32 to vector<128x1xi32>
    %add3A_60 = arith.addi %bitcast_convert_type3A, %add3A_59 : vector<128x1xi32>
    %bitcast_convert_type3A_61 = tpu.bitcast %add3A_60 : vector<128x1xi32> -> vector<128x1xf32>
    %sqrt3A_62 = math.sqrt %bitcast_convert_type3A_61 : vector<128x1xf32>
    %eq3A_63 = arith.cmpf oeq, %sqrt3A_62, %sqrt3A : vector<128x1xf32>
    %and3A_64 = arith.andi %and3A_56, %eq3A_63 : vector<128x1xi1>
    %select_n3A_65 = arith.select %and3A_64, %bitcast_convert_type3A_61, %select_n3A_57 : vector<128x1xi1>, vector<128x1xf32>
    %iota3A = tpu.iota {dimensions = array<i32: 1>} : vector<128x8192xi32>
    %le3A = vector.broadcast %select_n3A_65 : vector<128x1xf32> to vector<128x8192xf32>
    %le3A_66 = arith.cmpf ole, %max3A_17, %le3A : vector<128x8192xf32>
    %jit3A = arith.constant 2147483647 : i32
    %broadcast_in_dim3A_67 = vector.broadcast %jit3A : i32 to vector<128x8192xi32>
    %select_n3A_68 = arith.select %le3A_66, %iota3A, %broadcast_in_dim3A_67 : vector<128x8192xi1>, vector<128x8192xi32>
    %reduce_min3A_69 = arith.constant dense<2147483647> : vector<128xi32>
    %reduce_min3A_70 = vector.multi_reduction <minsi>, %select_n3A_68, %reduce_min3A_69 [1] : vector<128x8192xi32> to vector<128xi32>
    %broadcast_in_dim3A_71 = vector.shape_cast %reduce_min3A_70 : vector<128xi32> to vector<128x1xi32>
    %swap3A = arith.constant 0 : index
    %swap3A_72 = arith.constant 0 : index
    %swap3A_73 = vector.load %arg5[%swap3A, %swap3A_72] : memref<128x1xi32, #tpu.memory_space<vmem>>, vector<128x1xi32>
    tpu.vector_store %arg5[%swap3A, %swap3A_72], %broadcast_in_dim3A_71 {strides = array<i32>} : memref<128x1xi32, #tpu.memory_space<vmem>>, vector<128x1xi32>,
    return
  }
  func.func @transform_0(%arg0: i32) -> (i32, i32) {
    %c0_i32 = arith.constant 0 : i32
    %c0_i32_0 = arith.constant 0 : i32
    return %arg0, %c0_i32 : i32, i32
  }
  func.func @transform_1(%arg0: i32) -> (i32, i32) {
    %c0_i32 = arith.constant 0 : i32
    %c0_i32_0 = arith.constant 0 : i32
    %c0_i32_1 = arith.constant 0 : i32
    return %c0_i32, %c0_i32_0 : i32, i32
  }
  func.func @transform_2(%arg0: i32) -> (i32, i32) {
    %c0_i32 = arith.constant 0 : i32
    %c0_i32_0 = arith.constant 0 : i32
    return %arg0, %c0_i32 : i32, i32
  }
  func.func @transform_3(%arg0: i32) -> (i32, i32) {
    %c0_i32 = arith.constant 0 : i32
    %c0_i32_0 = arith.constant 0 : i32
    %c0_i32_1 = arith.constant 0 : i32
    return %c0_i32, %c0_i32_0 : i32, i32
  }
  func.func @transform_4(%arg0: i32) -> (i32, i32) {
    %c0_i32 = arith.constant 0 : i32
    %c0_i32_0 = arith.constant 0 : i32
    return %arg0, %c0_i32 : i32, i32
  }
}

</mosaic_0001>

<sc_bundles>
// kernel: kernel.4.cloned.1.call-start
scs
__scs_entry_jumppad:
0x0: {  	(pc) =	sbr.rel $0x88, $3  }
0x1: {  	(tag) =	ssettag $0x0;
	lr =	simm.s32 $0x1  }
0x2: {  	[smem:$0x3F9F] =	sst lr;
	_ =	strace $0xD0000000  }
0x3: {  	_ = 	snop  }
0x4: {  	_ = 	snop  }
0x5: {  	_ = 	snop  }
0x6: {  	_ = 	snop  }
0x7: {  	_ = 	snop  }
__scs_overlays_trampoline_lowered:
0x8: {  	[smem:$0x3FAE] =	sst s0  }
0x9: {  	[smem:$0x3FAF] =	sst s1  }
0xa: {  	[smem:$0x3FB0] =	sst s2  }
0xb: {  	[smem:$0x3FB1] =	sst s3  }
0xc: {  	[smem:$0x3FB2] =	sst s4  }
0xd: {  	[smem:$0x3FB3] =	sst s5  }
0xe: {  	[smem:$0x3FB4] =	sst s6  }
0xf: {  	[smem:$0x3FB5] =	sst s7  }
0x10: {  	[smem:$0x3FB6] =	sst s8  }
0x11: {  	[smem:$0x3FB7] =	sst s9;
	s0 =	simm.s32 @!p0 $0x0  }
0x12: {  	s1 =	sld [smem:$0x3F9D];
	s0 =	simm.s32 @p0 $0x1  }
0x13: {  	[smem:$0x3FB8] =	sst s0;
	s0 =	simm.s32 @!p1 $0x0  }
0x14: {  	s2 =	sld [smem:$0x3F9C];
	s0 =	simm.s32 @p1 $0x1  }
0x15: {  	[smem:$0x3FB9] =	sst s0;
	s0 =	simm.s32 @!p2 $0x0  }
0x16: {  	s3 =	sld [smem:$0x3FDB];
	s0 =	simm.s32 @p2 $0x1  }
0x17: {  	s4 =	simm.s32 $0x1BF5;
	[smem:$0x3FBB] =	sst s0  }
0x18: {  	s0 =	sld [smem:$0x3F9E];
	_ =	swait.ge [sflag:s4], $0x0  }
0x19: {  	s7 =	sld [smem:$0x3F9F]  }
0x1a: {  	s8 =	sadd.s32 $0xFFFFE003, lr  }
0x1b: {  	s9 =	sadd.s32 $0xFFFFFEF7, lr;
	s5 =	simm.s32 $0xFFFFFFFF;
	p2 =	slt.u32 s8, $0xFFFFF086  }
0x1c: {  	p1 =	slt.u32 s9, $0xF7A;
	s5 =	simm.s32 @!p2 $0x0  }
0x1d: {  	s5 =	simm.s32 @p1 $0x1;
	p0 =	seq.s32 s7, s2  }
0x1e: {  	s7 =	smul.u32 @!p0 $0xF7A, s2;
	p2 =	seq.s32 @!p0 s5, $0x0  }
0x1f: {  	s9 =	smul.u32 $0xF7A, s1;
	s8 =	simm.s32 @!p0 $0x1BF5;
	p2 =	por !p2, p0  }
0x20: {  	[sflag:s8] =	ssyncset.s32 @!p0 $0xFFFFF086;
	s6 =	sadd.s32 @!p0 s3, s7;
	s7 =	simm.s32 @!p0 $0x108  }
0x21: {  	s3 =	sadd.s32 s3, s9;
	s6 =	sadd.s32 @!p0 $0x88, s6;
	s7 =	simm.s32 @p2 $0x1082  }
0x22: {  	[simem:s7], [sflag:s8] =	dma.local @!p0 [hbm:s6], $0xF7A  }
0x23: {  	s9 =	sor.u32 $0xD0000000, s2;
	s6 =	simm.s32 $0x108;
	_ =	swait.ge @!p0 [sflag:s8], $0x0  }
0x24: {  	s3 =	sadd.s32 $0x88, s3;
	s6 =	simm.s32 @!p1 $0x1082;
	[sflag:s4] =	ssyncset.s32 $0xFFFFF086  }
0x25: {  	[simem:s6], [sflag:s4] =	dma.local [hbm:s3], $0xF7A  }
0x26: {  	[smem:$0x3F9F] =	sst s1;
	(tag) =	ssettag s2;
	_ =	strace s9  }
0x27: {  	s1 =	sld [smem:$0x3FAF]  }
0x28: {  	s2 =	sld [smem:$0x3FB0]  }
0x29: {  	s4 =	sld [smem:$0x3FB2]  }
0x2a: {  	p0 =	seq.s32 s5, $0x0;
	s5 =	sld [smem:$0x3FB3]  }
0x2b: {  	s6 =	sld [smem:$0x3FB4]  }
0x2c: {  	s7 =	sld [smem:$0x3FB5]  }
0x2d: {  	s3 =	simm.s32 $0x108;
	s8 =	sld [smem:$0x3FB6]  }
0x2e: {  	s3 =	simm.s32 @!p0 $0x1082;
	s9 =	sld [smem:$0x3FB7]  }
0x2f: {  	lr =	sadd.s32 s0, s3;
	s0 =	sld [smem:$0x3FAE]  }
0x30: {  	s3 =	sld [smem:$0x3FB1]  }
0x31: {  	[smem:$0x3FBA] =	sst s10  }
0x32: {  	s10 =	sld [smem:$0x3FB8];
	_ =	sdelay $0x3  }
0x33: {  	p0 =	seq.s32 s10, $0x1;
	s10 =	sld [smem:$0x3FBA];
	_ =	sdelay $0x3  }
0x34: {  	[smem:$0x3FBA] =	sst s10  }
0x35: {  	s10 =	sld [smem:$0x3FB9];
	_ =	sdelay $0x3  }
0x36: {  	p1 =	seq.s32 s10, $0x1;
	s10 =	sld [smem:$0x3FBA];
	_ =	sdelay $0x3  }
0x37: {  	[smem:$0x3FBA] =	sst s10  }
0x38: {  	s10 =	sld [smem:$0x3FBB]  }
0x39: {  	_ = 	snop;
	(pc) =	sbr.ind lr, $3  }
0x3a: {  	_ = 	snop  }
0x3b: {  	_ = 	snop  }
0x3c: {  	p2 =	seq.s32 s10, $0x1;
	s10 =	sld [smem:$0x3FBA]  }
0x3d: {  	_ =	shalt  }
0x3e: {  	_ =	shalt  }
0x3f: {  	_ =	shalt  }
0x40: {  	_ =	shalt  }
0x41: {  	_ =	shalt  }
0x42: {  	_ =	shalt  }
0x43: {  	_ =	shalt  }
0x44: {  	_ =	shalt  }
0x45: {  	_ =	shalt  }
0x46: {  	_ =	shalt  }
0x47: {  	_ =	shalt  }
0x48: {  	_ =	shalt  }
0x49: {  	_ =	shalt  }
0x4a: {  	_ =	shalt  }
0x4b: {  	_ =	shalt  }
0x4c: {  	_ =	shalt  }
0x4d: {  	_ =	shalt  }
0x4e: {  	_ =	shalt  }
0x4f: {  	_ =	shalt  }
0x50: {  	_ =	shalt  }
0x51: {  	_ =	shalt  }
0x52: {  	_ =	shalt  }
0x53: {  	_ =	shalt  }
0x54: {  	_ =	shalt  }
0x55: {  	_ =	shalt  }
0x56: {  	_ =	shalt  }
0x57: {  	_ =	shalt  }
0x58: {  	_ =	shalt  }
0x59: {  	_ =	shalt  }
0x5a: {  	_ =	shalt  }
0x5b: {  	_ =	shalt  }
0x5c: {  	_ =	shalt  }
0x5d: {  	_ =	shalt  }
0x5e: {  	_ =	shalt  }
0x5f: {  	_ =	shalt  }
0x60: {  	_ =	shalt  }
0x61: {  	_ =	shalt  }
0x62: {  	_ =	shalt  }
0x63: {  	_ =	shalt  }
0x64: {  	_ =	shalt  }
0x65: {  	_ =	shalt  }
0x66: {  	_ =	shalt  }
0x67: {  	_ =	shalt  }
0x68: {  	_ =	shalt  }
0x69: {  	_ =	shalt  }
0x6a: {  	_ =	shalt  }
0x6b: {  	_ =	shalt  }
0x6c: {  	_ =	shalt  }
0x6d: {  	_ =	shalt  }
0x6e: {  	_ =	shalt  }
0x6f: {  	_ =	shalt  }
0x70: {  	_ =	shalt  }
0x71: {  	_ =	shalt  }
0x72: {  	_ =	shalt  }
0x73: {  	_ =	shalt  }
0x74: {  	_ =	shalt  }
0x75: {  	_ =	shalt  }
0x76: {  	_ =	shalt  }
0x77: {  	_ =	shalt  }
0x78: {  	_ =	shalt  }
0x79: {  	_ =	shalt  }
0x7a: {  	_ =	shalt  }
0x7b: {  	_ =	shalt  }
0x7c: {  	_ =	shalt  }
0x7d: {  	_ =	shalt  }
0x7e: {  	_ =	shalt  }
0x7f: {  	_ =	shalt  }
0x80: {  	_ =	shalt  }
0x81: {  	_ =	shalt  }
0x82: {  	_ =	shalt  }
0x83: {  	_ =	shalt  }
0x84: {  	_ =	shalt  }
0x85: {  	_ =	shalt  }
0x86: {  	_ =	shalt  }
0x87: {  	_ =	shalt  }
.Lfunc_end0:
.L_simem_size_0:
called_computation_lowered:
.L_overlay_start_0:
0x88: {  	s2 =	sld [smem:$0x3FD9]  }
0x89: {  	s3 =	sld [smem:$0x3FFE];
	_ =	sdelay $0x1  }
0x8a: {  	s1 =	srdreg.scid  }
0x8b: {  	s0 =	sand.u32 $0x1, s1  }
0x8c: {  	s14 =	sshll.u32 s0, $0xA;
	s2 =	sadd.s32 s3, s2  }
0x8d: {  	s2 =	sadd.s32 s2, s14  }
0x8e: {  	[smem:$0x3FC6] =	sst s2  }
0x8f: {  	_ = 	snop  }
0x90: {  	s2 =	sld [smem:$0x3FD0];
	_ =	sdelay $0x2  }
0x91: {  	s15 =	simm.s32 $0xA;
	s4 =	simm.s32 $0x10  }
0x92: {  	[smem:s4], [sflag:s15] =	dma.local [hbm:s2], $0x1  }
0x93: {  	_ =	swait.eq [sflag:s15], $0x1  }
0x94: {  	[sflag:s15] =	ssyncset.done $0x0  }
0x95: {  	s16 =	sld [smem:$0x10];
	[sflag:s15] =	ssyncadd.s32 $0xFFFFFFFF  }
0x96: {  	s17 =	sld [smem:$0x11];
	(tm) =	ssettm $0x1  }
0x97: {  	s18 =	sld [smem:$0x3FFB];
	_ =	sdelay $0x3  }
0x98: {  	_ =	strace s18  }
0x99: {  	s4 =	sld [smem:$0x3FFC];
	_ =	sdelay $0x3  }
0x9a: {  	_ =	strace s4  }
0x9b: {  	s4 =	sld [smem:$0x3FFD];
	_ =	sdelay $0x3  }
0x9c: {  	_ =	strace s4  }
0x9d: {  	_ =	strace $0x8FFFFFFF  }
0x9e: {  	s19 =	sld [smem:$0x3FDB];
	_ =	sdelay $0x1  }
0x9f: {  	s5 =	simm.s32 $_scs_section_size  }
0xa0: {  	s6 =	simm.s32 $_size__tile_overlayer_lowered;
	s7 =	simm.s32 $_tile_overlayer_lowered  }
0xa1: {  	s22 =	simm.s32 $0x1BFF;
	s21 =	sshll.u32 s7, $0x1;
	s4 =	sadd.s32 s5, s19  }
0xa2: {  	s8 =	simm.s32 $0x0;
	s20 =	sshll.u32 s6, $0x1;
	s6 =	sadd.s32 s21, s4  }
0xa3: {  	[timem:s8], [sflag:s22] =	dma.local [hbm:s6], s20  }
0xa4: {  	_ =	swait.ge [sflag:s22], s20  }
0xa5: {  	s5 =	ssub.s32 $0x0, s20;
	[sflag:s22] =	ssyncset.done $0x0  }
0xa6: {  	[sflag:s22] =	ssyncadd.s32 s5;
	_ =	sdelay $0x1  }
0xa7: {  	s23 =	simm.s32 $0x1B8B  }
0xa8: {  	_ =	swait.ge [sflag:s23], $0x1  }
0xa9: {  	[sflag:s23] =	ssyncset.done $0x0  }
0xaa: {  	s25 =	simm.s32 $0x1B8E;
	s24 =	sld [smem:$0x3FFE];
	[sflag:s23] =	ssyncadd.s32 $0xFFFFFFFF  }
0xab: {  	s26 =	simm.s32 $execute0_lowered;
	[smem:$0x3FD2] =	sst s25  }
0xac: {  	s6 =	sshll.u32 s26, $0x1;
	_ =	strace $0x80000046;
	[dreg:$0x1] =	wrdreg $0xFFFFFFFF  }
0xad: {  	s28 =	simm.s32 $_size_execute0_lowered;
	s4 =	sadd.s32 s4, s6;
	[dreg:$0x0] =	wrdreg $0x0  }
0xae: {  	s6 =	sshll.u32 s28, $0x1;
	[dreg:$0x2] =	wrdreg s4  }
0xaf: {  	[dreg:$0x3] =	wrdreg s6  }
0xb0: {  	[dreg:$0x4] =	wrdreg $0xC0  }
0xb1: {  	_ =	task [dreg:s8], $0x5FFFF  }
0xb2: {  	[dreg:$0x1] =	wrdreg $0xFFFFFFFF  }
0xb3: {  	[dreg:$0x0] =	wrdreg $0x60  }
0xb4: {  	[dreg:$0x2] =	wrdreg s24  }
0xb5: {  	[dreg:$0x3] =	wrdreg s17  }
0xb6: {  	[dreg:$0x4] =	wrdreg s16  }
0xb7: {  	[dreg:$0x5] =	wrdreg $0x9  }
0xb8: {  	_ =	task.clear_ibuf [dreg:s8], $0x6FFFF;
	_ =	strace $0x90000046  }
0xb9: {  	s29 =	simm.s32 $0x9;
	_ =	strace $0x80000048  }
0xba: {  	_ =	swait.ge [sflag:s29], $0x1  }
0xbb: {  	[sflag:s29] =	ssyncadd.s32 $0xFFFFFFFF  }
0xbc: {  	_ =	strace $0x90000048  }
0xbd: {  	_ =	sfence  }
0xbe: {  	s30 =	sld [smem:$0x0];
	_ =	sdelay $0x2  }
0xbf: {  	s31 =	sshll.u32 s1, $0xD;
	s1 =	sshrl.u32 s1, $0x2  }
0xc0: {  	s3 =	sand.u32 $0x4000, s31;
	s1 =	sadd.s32 s1, s30  }
0xc1: {  	s0 =	sor.u32 s3, s0;
	s1 =	sshll.u32 s1, $0x11  }
0xc2: {  	s0 =	sor.u32 s1, s0  }
0xc3: {  	s0 =	sadd.s32 $0x8F2B, s0  }
0xc4: {  	[sflag:s0] =	ssyncadd.remote.s32 $0x1  }
0xc5: {  	_ =	sfence.sel $0xFFFF  }
0xc6: {  	[dreg:$0x0] =	wrdreg $0xFFFFFFFF;
	(pc) =	sbr.abs _section_cstart, $3  }
0xc7: {  	[dreg:$0x1] =	wrdreg $0xFFFFFFFF  }
0xc8: {  	_ =	task.clear_ibuf [dreg:s8], $0x2FFFF;
	_ =	strace $0x9FFFFFFF  }
0xc9: {  	(tm) =	ssettm $0x7FFFFFFF  }
tec
execute0_lowered:
.L_overlay_start_1:
0x0: {  	(tag) =	ssettag $0x1  }
0x1: {  	s5 =	rddreg [dreg:$0x0]  }
0x2: {  	s3 =	rddreg [dreg:$0x1]  }
0x3: {  	s1 =	srdreg.scid;
	s0 =	stileid.u32  }
0x4: {  	s14 =	rddreg [dreg:$0x2];
	s12 =	sand.u32 $0x1, s1;
	s4 =	sshll.u32 s0, $0x1  }
0x5: {  	s2 =	simm.s32 $0x0;
	s1 =	rddreg [dreg:$0x3];
	s15 =	sor.u32 s12, s4  }
0x6: {  	[smem:$0x7FF] =	sst s2;
	s4 =	sshll.u32 s15, $0x6  }
0x7: {  	_ =	strace $0x80000047;
	s4 =	sadd.s32 s3, s4;
	s3 =	simm.s32 $0x2  }
0x8: {  	[tilespmem:s2], [sflag:$0x2] =	stream.linear.gather [hbm4b:s4+s2], $0x200, $0x38;
	[tilespmem:$0x10200] =	vst v63  }
0x9: {  	_ =	swait.ge [sflag:s3], $0x200  }
0xa: {  	s6 =	simm.s32 $0x80;
	s7 =	simm.s32 $0x200;
	[sflag:s3] =	ssyncset.done $0x0  }
0xb: {  	s8 =	simm.s32 $0x1;
	s5 =	sadd.s32 $0x800, s5;
	[sflag:s3] =	ssyncadd.s32 $0xFFFFFE00  }
0xc: {  	[tilespmem:s7], [sflag:$0x1] =	stream.indirect.gather [hbm4b:s5+s6], $0x80, s2, s6, $0xb8;
	[tilespmem:$0x10200] =	vst v63  }
0xd: {  	_ =	swait.ge [sflag:s8], $0x4000  }
0xe: {  	[sflag:s8] =	ssyncset.done $0x0  }
0xf: {  	s9 =	simm.s32 $0x4200;
	[sflag:s8] =	ssyncadd.s32 $0xFFFFC000  }
0x10: {  	[tilespmem:s9], [sflag:$0x1] =	stream.indirect.gather [hbm4b:s5+s6], $0x80, s6, s6, $0xb8;
	[tilespmem:$0x10200] =	vst v63  }
0x11: {  	_ =	swait.ge [sflag:s8], $0x4000  }
0x12: {  	s10 =	simm.s32 $0x100;
	[sflag:s8] =	ssyncset.done $0x0  }
0x13: {  	s11 =	simm.s32 $0x8200;
	s16 =	ssub.s32 $0x2, s12;
	[sflag:s8] =	ssyncadd.s32 $0xFFFFC000  }
0x14: {  	[tilespmem:s11], [sflag:$0x1] =	stream.indirect.gather [hbm4b:s5+s6], $0x80, s10, s6, $0xb8;
	[tilespmem:$0x10200] =	vst v63  }
0x15: {  	s17 =	sshrl.u32 s16, $0x1;
	_ =	swait.ge [sflag:s8], $0x4000  }
0x16: {  	s13 =	simm.s32 $0xC200;
	s16 =	ssub.s32 s16, s17;
	[sflag:s8] =	ssyncset.done $0x0  }
0x17: {  	s12 =	simm.s32 $0x180;
	s31 =	smax.u32 s16, $0x1;
	[sflag:s8] =	ssyncadd.s32 $0xFFFFC000  }
0x18: {  	[tilespmem:s13], [sflag:$0x1] =	stream.indirect.gather [hbm4b:s5+s6], $0x80, s12, s6, $0xb8;
	[tilespmem:$0x10200] =	vst v63  }
0x19: {  	p0 =	sne.s32 s31, $0x1;
	_ =	swait.ge [sflag:s8], $0x4000  }
.Ltmp0:
0x1a: {  	s15 =	sshll.u32 s15, $0xD;
	[sflag:s8] =	ssyncset.done $0x0;
	(pc) =	sbr.rel @!p0 .LBB2_2-.Ltmp0, $4  }
0x1b: {  	s14 =	sadd.s32 s14, s15;
	[sflag:s8] =	ssyncadd.s32 $0xFFFFC000  }
0x1c: {  	[hbm4b:s14+s2] =	stream.linear.scatter [tilespmem:s7], [sflag:$0x2], $0x10000, $0x38;
	[tilespmem:$0x10200] =	vst v63  }
0x1d: {  	_ =	swait.ge [sflag:s3], $0x10000  }
0x1e: {  	s15 =	sadd.s32 $0xFFFFFFFF, s31;
	[sflag:s3] =	ssyncset.done $0x0  }
.LBB2_1:
0x1f: {  	p0 =	sne.s32 s15, $0x1;
	s15 =	sadd.s32 $0xFFFFFFFF, s15;
	[sflag:s3] =	ssyncadd.s32 $0xFFFF0000  }
0x20: {  	[tilespmem:s2], [sflag:$0x2] =	stream.linear.gather [hbm4b:s4+s2], $0x200, $0x38;
	[tilespmem:$0x10200] =	vst v63  }
0x21: {  	_ =	swait.ge [sflag:s3], $0x200  }
0x22: {  	[sflag:s3] =	ssyncset.done $0x0  }
0x23: {  	[sflag:s3] =	ssyncadd.s32 $0xFFFFFE00  }
0x24: {  	[tilespmem:s7], [sflag:$0x1] =	stream.indirect.gather [hbm4b:s5+s6], $0x80, s2, s6, $0xb8;
	[tilespmem:$0x10200] =	vst v63  }
0x25: {  	_ =	swait.ge [sflag:s8], $0x4000  }
0x26: {  	[sflag:s8] =	ssyncset.done $0x0  }
0x27: {  	[sflag:s8] =	ssyncadd.s32 $0xFFFFC000  }
0x28: {  	[tilespmem:s9], [sflag:$0x1] =	stream.indirect.gather [hbm4b:s5+s6], $0x80, s6, s6, $0xb8;
	[tilespmem:$0x10200] =	vst v63  }
0x29: {  	_ =	swait.ge [sflag:s8], $0x4000  }
0x2a: {  	[sflag:s8] =	ssyncset.done $0x0  }
0x2b: {  	[sflag:s8] =	ssyncadd.s32 $0xFFFFC000  }
0x2c: {  	[tilespmem:s11], [sflag:$0x1] =	stream.indirect.gather [hbm4b:s5+s6], $0x80, s10, s6, $0xb8;
	[tilespmem:$0x10200] =	vst v63  }
0x2d: {  	_ =	swait.ge [sflag:s8], $0x4000  }
0x2e: {  	[sflag:s8] =	ssyncset.done $0x0  }
0x2f: {  	[sflag:s8] =	ssyncadd.s32 $0xFFFFC000  }
0x30: {  	[tilespmem:s13], [sflag:$0x1] =	stream.indirect.gather [hbm4b:s5+s6], $0x80, s12, s6, $0xb8;
	[tilespmem:$0x10200] =	vst v63  }
0x31: {  	_ =	swait.ge [sflag:s8], $0x4000  }
.Ltmp1:
0x32: {  	[sflag:s8] =	ssyncset.done $0x0;
	(pc) =	sbr.rel @p0 .LBB2_1-.Ltmp1, $4  }
0x33: {  	[sflag:s8] =	ssyncadd.s32 $0xFFFFC000  }
0x34: {  	[hbm4b:s14+s2] =	stream.linear.scatter [tilespmem:s7], [sflag:$0x2], $0x10000, $0x38;
	[tilespmem:$0x10200] =	vst v63  }
0x35: {  	_ =	swait.ge [sflag:s3], $0x10000  }
0x36: {  	[sflag:s3] =	ssyncset.done $0x0  }
.LBB2_2:
0x37: {  	[sflag:s3] =	ssyncadd.s32 $0xFFFF0000  }
0x38: {  	_ =	sfence.sel $0x180000  }
0x39: {  	[bflag:$0x0] =	sbarrier.arrive $0xFFFF  }
0x3a: {  	p0 =	sne.s32 s0, $0x0;
	_ =	strace $0x90000047  }
0x3b: {  	s0 =	sadd.s32 @!p0 $0x100000, s1;
	[bflag:$0x2] =	sbarrier.arrive $0xFFFF  }
0x3c: {  	[sflag:s0] =	ssyncadd.tile.s32 @!p0 $0x1;
	_ =	shalt  }
.Lfunc_end2:
_tile_overlayer_lowered:
.L_overlay_start_2:
0x3d: {  	(tag) =	ssettag $0x2  }
0x3e: {  	s0 =	rddreg [dreg:$0x0];
	s2 =	stileid.u32  }
0x3f: {  	s1 =	rddreg [dreg:$0x1];
	p0 =	sne.s32 s2, $0x0  }
0x40: {  	s3 =	rddreg [dreg:$0x2];
	[bflag:$0x3] =	sbarrier.arrive $0xFFFF;
	s2 =	simm.s32 @!p0 $0x1C02  }
0x41: {  	[timem:s3], [sflag:s2] =	dma.local @!p0 [hbm:s0], s1  }
0x42: {  	s0 =	simm.s32 @!p0 $0x2  }
0x43: {  	_ =	swait.ge @!p0 [sflag:s0], s1  }
0x44: {  	s1 =	ssub.s32 @!p0 $0x0, s1;
	[sflag:s0] =	ssyncset.done @!p0 $0x0  }
0x45: {  	[sflag:s0] =	ssyncadd.s32 @!p0 s1  }
0x46: {  	[bflag:$0x3] =	sbarrier.arrive $0xFFFF  }
0x47: {  	_ =	shalt  }

</sc_bundles>
